<compile_context>
chip_gen: v7x
topology: tpu7x:2x2x1
jax: 0.10.2.dev20260603
libtpu: 0.0.44.dev20260713+nightly
codegen_flags: <defaults>
</compile_context>

<pallas_src>
import dataclasses
import functools

import jax
import jax.numpy as jnp
from jax import lax
from jax.experimental import pallas as pl
from jax.experimental.pallas import tpu as pltpu
from jax.experimental.pallas import tpu_sc as plsc

_B, _T, _V = 16, 32, 100000
_N = _B * _T
_HALF = _T // 2


def _sc_gather(seqs, probs):
    mesh = plsc.VectorSubcoreMesh(core_axis_name="c", subcore_axis_name="s")
    num_cores = mesh.num_cores
    cp = pltpu.CompilerParams()
    if "needs_layout_passes" in pltpu.CompilerParams.__dataclass_fields__:
        cp = dataclasses.replace(cp, needs_layout_passes=False)

    @functools.partial(
        pl.kernel,
        compiler_params=cp,
        out_type=jax.ShapeDtypeStruct((_N,), jnp.float32),
        mesh=mesh,
        scratch_types=[
            pltpu.VMEM((_B, _T), jnp.int32),
            pltpu.VMEM((_HALF, 8, 128), jnp.float32),
            pltpu.VMEM((_HALF,), jnp.float32),
            pltpu.SemaphoreType.DMA,
            pltpu.SemaphoreType.DMA,
        ],
    )
    def gather_kernel(seqs_hbm, probs_hbm, p_hbm, seq_all, buf, p_v, sem,
                      sem2):
        wid = lax.axis_index("s") * num_cores + lax.axis_index("c")
        b = wid // 2
        t0 = (wid % 2) * _HALF
        pltpu.async_copy(seqs_hbm, seq_all, sem2).wait()
        iota = lax.iota(jnp.int32, _HALF)
        seq_v = seq_all[b, pl.ds(t0, _HALF)]

        @pl.loop(0, _HALF)
        def _(j):
            sj = jnp.sum(jnp.where(iota == j, seq_v, 0))
            wj = pl.multiple_of((sj >> 7) << 7, 128)
            t8 = pl.multiple_of(t0 + ((j >> 3) << 3), 8)
            pltpu.async_copy(probs_hbm.at[b, pl.ds(t8, 8), pl.ds(wj, 128)],
                             buf.at[j], sem)

        pltpu.make_async_copy(
            probs_hbm.at[pl.ds(0, _HALF), pl.ds(0, 8), pl.ds(0, 128)],
            buf, sem,
        ).wait()

        lane = seq_v & 127
        row = iota & 7
        p_v[...] = plsc.load_gather(buf, [iota, row, lane])
        pltpu.sync_copy(p_v, p_hbm.at[pl.ds(wid * _HALF, _HALF)])

    return gather_kernel(seqs, probs)


def _tc_finish_body(p_ref, s_ref, r_ref, b_ref, o_ref):
    pv = p_ref[...]
    sv = s_ref[...]
    seq_len = jnp.sum((sv > 0).astype(jnp.int32), axis=1, keepdims=True) + 1
    tt = lax.broadcasted_iota(jnp.int32, (_B, _T), 1)
    maskv = (tt < seq_len).astype(jnp.float32)
    adv = r_ref[...] - b_ref[...]
    losses = -jnp.log(pv + 1e-10) * adv
    o_ref[0, 0] = jnp.sum(losses * maskv) / jnp.sum(maskv)


def _tc_finish(p, seqs, reward, baseline):
    return pl.pallas_call(
        _tc_finish_body,
        out_shape=jax.ShapeDtypeStruct((1, 1), jnp.float32),
        out_specs=pl.BlockSpec(memory_space=pltpu.SMEM),
    )(p, seqs, reward, baseline)


def kernel(reward, baseline, probs, seqs):
    seqs = seqs.astype(jnp.int32)
    p = _sc_gather(seqs, probs)
    out = _tc_finish(p.reshape(_B, _T), seqs, reward.reshape(_B, 1),
                     baseline.reshape(_B, 1))
    return out[0, 0]

# --- scband reference (transcript-rebuilt; emitter-appended) ---
"""Pipeline reference for scband-reinforce-loss-67173288509843 (READ-ONLY COPY).

The authoritative reference and input builder live on the scoring server;
editing this copy changes nothing except your own understanding.
"""

import jax, jax.numpy as jnp
import numpy as np

B, T, V = 16, 32, 100000

def setup_inputs(seed: int = 0) -> dict:
    key = jax.random.key(seed)
    k1, k2, k3, k4 = jax.random.split(key, 4)
    reward = jax.random.normal(k1, (B,), dtype=jnp.float32)
    baseline = jax.random.normal(k2, (B,), dtype=jnp.float32)
    probs = jax.random.uniform(k3, (B, T, V), dtype=jnp.float32)
    seqs = jax.random.randint(k4, (B, T), 0, V, dtype=jnp.int64)
    return {"reward": reward, "baseline": baseline, "probs": probs, "seqs": seqs}

def reference(reward, baseline, probs, seqs):
    # get_masks: seq_len = count(seqs > 0) + 1; mask positions < seq_len
    seq_len = jnp.sum(seqs > 0, axis=1) + 1
    t = seqs.shape[1]
    mask = (jnp.arange(t)[None, :] < seq_len[:, None]).astype(jnp.float32)
    # gather chosen-token probabilities: probs.gather(2, seqs.unsqueeze(2)).squeeze(2)
    p = jnp.take_along_axis(probs, seqs[:, :, None], axis=2)[:, :, 0]
    adv = jax.lax.stop_gradient(reward) - jax.lax.stop_gradient(baseline)
    losses = -jnp.log(p + 1e-10) * adv[:, None]
    # masked_select(...).mean() == sum(losses*mask)/sum(mask)
    loss = jnp.sum(losses * mask) / jnp.sum(mask)
    return loss

if __name__ == "__main__":
    import jax
    _d = setup_inputs()
    print(jax.jit(kernel)(*tuple(_d.values())))

</pallas_src>

<mosaic_0001>
#map = affine_map<(d0, d1) -> (0, 0)>
#map1 = affine_map<(d0, d1) -> (0, 0, 0)>
#map2 = affine_map<(d0, d1) -> (0)>
module attributes {stable_mosaic.version = 14 : i64} {
  func.func @gather_kernel(%arg0: i32, %arg1: i32, %arg2: memref<16x32xi32, #tpu.memory_space<hbm>>, %arg3: memref<16x32x100000xf32, #tpu.memory_space<hbm>>, %arg4: memref<512xf32, #tpu.memory_space<hbm>>, %arg5: memref<16x32xi32, #tpu.memory_space<vmem>>, %arg6: memref<16x8x128xf32, #tpu.memory_space<vmem>>, %arg7: memref<16xf32, #tpu.memory_space<vmem>>, %arg8: memref<!tpu.dma_semaphore, #tpu.memory_space<semaphore_mem>>, %arg9: memref<!tpu.dma_semaphore, #tpu.memory_space<semaphore_mem>>) attributes {dimension_semantics = [#tpu.dimension_semantics<core_parallel>, #tpu.dimension_semantics<subcore_parallel>], iteration_bounds = array<i64: 2, 16>, scalar_prefetch = 0 : i64, scratch_operands = 5 : i64, tpu.core_type = #tpu.core_type<sc_vector_subcore>, window_params = [{transform_indices = #map}, {transform_indices = #map1}, {transform_indices = #map2}]} {
    %mul3A = arith.constant 2 : i32
    %mul3A_0 = arith.muli %arg1, %mul3A : i32
    %add3A = arith.addi %mul3A_0, %arg0 : i32
    %jit3A = arith.constant 2 : i32
    %div3A = arith.divsi %add3A, %jit3A : i32
    %sign3A = arith.constant 0 : i32
    %sign3A_1 = arith.cmpi sgt, %add3A, %sign3A : i32
    %sign3A_2 = arith.extui %sign3A_1 : i1 to i32
    %sign3A_3 = arith.constant 0 : i32
    %sign3A_4 = arith.cmpi slt, %add3A, %sign3A_3 : i32
    %sign3A_5 = arith.extui %sign3A_4 : i1 to i32
    %sign3A_6 = arith.subi %sign3A_2, %sign3A_5 : i32
    %sign3A_7 = arith.constant 0 : i32
    %sign3A_8 = arith.cmpi sgt, %jit3A, %sign3A_7 : i32
    %sign3A_9 = arith.extui %sign3A_8 : i1 to i32
    %sign3A_10 = arith.constant 0 : i32
    %sign3A_11 = arith.cmpi slt, %jit3A, %sign3A_10 : i32
    %sign3A_12 = arith.extui %sign3A_11 : i1 to i32
    %sign3A_13 = arith.subi %sign3A_9, %sign3A_12 : i32
    %ne3A = arith.cmpi ne, %sign3A_6, %sign3A_13 : i32
    %rem3A = arith.remsi %add3A, %jit3A : i32
    %ne3A_14 = arith.constant 0 : i32
    %ne3A_15 = arith.cmpi ne, %rem3A, %ne3A_14 : i32
    %and3A = arith.andi %ne3A, %ne3A_15 : i1
    %sub3A = arith.constant 1 : i32
    %sub3A_16 = arith.subi %div3A, %sub3A : i32
    %select_n3A = arith.select %and3A, %sub3A_16, %div3A : i32
    %jit3A_17 = arith.constant 2 : i32
    %eq3A = arith.constant 0 : i32
    %eq3A_18 = arith.cmpi eq, %jit3A_17, %eq3A : i32
    %jit3A_19 = arith.constant 1 : i32
    %select_n3A_20 = arith.select %eq3A_18, %jit3A_19, %jit3A_17 : i32
    %rem3A_21 = arith.remsi %add3A, %select_n3A_20 : i32
    %ne3A_22 = arith.constant 0 : i32
    %ne3A_23 = arith.cmpi ne, %rem3A_21, %ne3A_22 : i32
    %lt3A = arith.constant 0 : i32
    %lt3A_24 = arith.cmpi slt, %rem3A_21, %lt3A : i32
    %lt3A_25 = arith.constant 0 : i32
    %lt3A_26 = arith.cmpi slt, %select_n3A_20, %lt3A_25 : i32
    %ne3A_27 = arith.xori %lt3A_24, %lt3A_26 : i1
    %and3A_28 = arith.andi %ne3A_27, %ne3A_23 : i1
    %add3A_29 = arith.addi %rem3A_21, %select_n3A_20 : i32
    %select_n3A_30 = arith.select %and3A_28, %add3A_29, %rem3A_21 : i32
    %mul3A_31 = arith.constant 16 : i32
    %mul3A_32 = arith.muli %select_n3A_30, %mul3A_31 : i32
    tpu.enqueue_dma source(%arg2 : memref<16x32xi32, #tpu.memory_space<hbm>>) target(%arg5 : memref<16x32xi32, #tpu.memory_space<vmem>>) target_semaphore(%arg9 : memref<!tpu.dma_semaphore, #tpu.memory_space<semaphore_mem>>)
    tpu.wait_dma2 semaphore(%arg9 : memref<!tpu.dma_semaphore, #tpu.memory_space<semaphore_mem>>) src(%arg2 : memref<16x32xi32, #tpu.memory_space<hbm>>) dst(%arg5 : memref<16x32xi32, #tpu.memory_space<vmem>>)
    %iota3A = tpu.iota {dimensions = array<i32: 0>} : vector<16xi32>
    %get3A = arith.index_cast %select_n3A : i32 to index
    %get3A_33 = arith.index_cast %mul3A_32 : i32 to index
    %get3A_34 = tpu.vector_load %arg5[%get3A, %get3A_33] {strides = array<i32>} : memref<16x32xi32, #tpu.memory_space<vmem>>, vector<16xi32>,
    %scan3A = arith.constant 0 : i32
    %scan3A_35 = arith.constant 16 : i32
    %scan3A_36 = arith.addi %scan3A, %scan3A_35 : i32
    %scan3A_37 = arith.constant 1 : i32
    scf.for %scan3A_55 = %scan3A to %scan3A_36 step %scan3A_37  : i32 {
      %mul3A_56 = arith.constant 1 : i32
      %mul3A_57 = arith.muli %scan3A_55, %mul3A_56 : i32
      %add3A_58 = arith.constant 0 : i32
      %add3A_59 = arith.addi %add3A_58, %mul3A_57 : i32
      %eq3A_60 = vector.broadcast %add3A_59 : i32 to vector<16xi32>
      %eq3A_61 = arith.cmpi eq, %iota3A, %eq3A_60 : vector<16xi32>
      %jit3A_62 = arith.constant 0 : i32
      %broadcast_in_dim3A = vector.broadcast %jit3A_62 : i32 to vector<16xi32>
      %select_n3A_63 = arith.select %eq3A_61, %get3A_34, %broadcast_in_dim3A : vector<16xi1>, vector<16xi32>
      %reduce_sum3A = arith.constant true
      %reduce_sum3A_64 = vector.broadcast %reduce_sum3A : i1 to vector<16xi1>
      %reduce_sum3A_65 = tpu.scan <sum>, %select_n3A_63 masked %reduce_sum3A_64 : vector<16xi32>, vector<16xi1> -> vector<16xi32>
      %reduce_sum3A_66 = vector.extract %reduce_sum3A_65[15] : i32 from vector<16xi32>
      %shift_right_arithmetic3A = arith.constant 7 : i32
      %shift_right_arithmetic3A_67 = arith.shrsi %reduce_sum3A_66, %shift_right_arithmetic3A : i32
      %shift_left3A = arith.constant 7 : i32
      %shift_left3A_68 = arith.shli %shift_right_arithmetic3A_67, %shift_left3A : i32
      %multiple_of3A = tpu.assume_multiple %shift_left3A_68, 128 : i32
      %shift_right_arithmetic3A_69 = arith.constant 3 : i32
      %shift_right_arithmetic3A_70 = arith.shrsi %add3A_59, %shift_right_arithmetic3A_69 : i32
      %shift_left3A_71 = arith.constant 3 : i32
      %shift_left3A_72 = arith.shli %shift_right_arithmetic3A_70, %shift_left3A_71 : i32
      %add3A_73 = arith.addi %mul3A_32, %shift_left3A_72 : i32
      %multiple_of3A_74 = tpu.assume_multiple %add3A_73, 8 : i32
      %dma_start3A = arith.constant 0 : i32
      %dma_start3A_75 = arith.constant 0 : i32
      %dma_start3A_76 = tpu.memref_slice %arg6[%add3A_59, %dma_start3A, %dma_start3A_75] : memref<16x8x128xf32, #tpu.memory_space<vmem>> -> memref<1x8x128xf32, #tpu.memory_space<vmem>>
      %dma_start3A_77 = tpu.memref_squeeze %dma_start3A_76 : memref<1x8x128xf32, #tpu.memory_space<vmem>> -> memref<8x128xf32, #tpu.memory_space<vmem>>
      %dma_start3A_78 = tpu.memref_slice %arg3[%select_n3A, %multiple_of3A_74, %multiple_of3A] : memref<16x32x100000xf32, #tpu.memory_space<hbm>> -> memref<1x8x128xf32, #tpu.memory_space<hbm>>
      %dma_start3A_79 = tpu.memref_squeeze %dma_start3A_78 : memref<1x8x128xf32, #tpu.memory_space<hbm>> -> memref<8x128xf32, #tpu.memory_space<hbm>>
      %dma_start3A_80 = arith.constant 0 : i32
      %dma_start3A_81 = arith.constant 0 : i32
      %dma_start3A_82 = tpu.memref_slice %arg6[%add3A_59, %dma_start3A_80, %dma_start3A_81] : memref<16x8x128xf32, #tpu.memory_space<vmem>> -> memref<1x8x128xf32, #tpu.memory_space<vmem>>
      %dma_start3A_83 = tpu.memref_squeeze %dma_start3A_82 : memref<1x8x128xf32, #tpu.memory_space<vmem>> -> memref<8x128xf32, #tpu.memory_space<vmem>>
      %dma_start3A_84 = tpu.memref_slice %arg3[%select_n3A, %multiple_of3A_74, %multiple_of3A] : memref<16x32x100000xf32, #tpu.memory_space<hbm>> -> memref<1x8x128xf32, #tpu.memory_space<hbm>>
      %dma_start3A_85 = tpu.memref_squeeze %dma_start3A_84 : memref<1x8x128xf32, #tpu.memory_space<hbm>> -> memref<8x128xf32, #tpu.memory_space<hbm>>
      tpu.enqueue_dma source(%dma_start3A_85 : memref<8x128xf32, #tpu.memory_space<hbm>>) target(%dma_start3A_83 : memref<8x128xf32, #tpu.memory_space<vmem>>) target_semaphore(%arg8 : memref<!tpu.dma_semaphore, #tpu.memory_space<semaphore_mem>>)
    }
    %scan3A_38 = arith.constant 16 : i32
    %dma_wait3A = arith.constant 0 : i32
    %dma_wait3A_39 = arith.constant 0 : i32
    %dma_wait3A_40 = arith.constant 0 : i32
    %dma_wait3A_41 = tpu.memref_slice %arg3[%dma_wait3A, %dma_wait3A_39, %dma_wait3A_40] : memref<16x32x100000xf32, #tpu.memory_space<hbm>> -> memref<16x8x128xf32, #tpu.memory_space<hbm>>
    %dma_wait3A_42 = arith.constant 0 : i32
    %dma_wait3A_43 = arith.constant 0 : i32
    %dma_wait3A_44 = arith.constant 0 : i32
    %dma_wait3A_45 = tpu.memref_slice %arg3[%dma_wait3A_42, %dma_wait3A_43, %dma_wait3A_44] : memref<16x32x100000xf32, #tpu.memory_space<hbm>> -> memref<16x8x128xf32, #tpu.memory_space<hbm>>
    tpu.wait_dma2 semaphore(%arg8 : memref<!tpu.dma_semaphore, #tpu.memory_space<semaphore_mem>>) src(%dma_wait3A_45 : memref<16x8x128xf32, #tpu.memory_space<hbm>>) dst(%arg6 : memref<16x8x128xf32, #tpu.memory_space<vmem>>)
    %and3A_46 = arith.constant 127 : i32
    %and3A_47 = vector.broadcast %and3A_46 : i32 to vector<16xi32>
    %and3A_48 = arith.andi %get3A_34, %and3A_47 : vector<16xi32>
    %and3A_49 = arith.constant 7 : i32
    %and3A_50 = vector.broadcast %and3A_49 : i32 to vector<16xi32>
    %and3A_51 = arith.andi %iota3A, %and3A_50 : vector<16xi32>
    %gather3A = tpu.vector_load_idx %arg6[%iota3A, %and3A_51, %and3A_48] : memref<16x8x128xf32, #tpu.memory_space<vmem>>[vector<16xi32>, vector<16xi32>, vector<16xi32>], vector<16xf32>,
    %swap3A = arith.constant 0 : index
    %swap3A_52 = tpu.vector_load %arg7[%swap3A] {strides = array<i32>} : memref<16xf32, #tpu.memory_space<vmem>>, vector<16xf32>,
    tpu.vector_store %arg7[%swap3A], %gather3A {strides = array<i32>} : memref<16xf32, #tpu.memory_space<vmem>>, vector<16xf32>,
    %mul3A_53 = arith.constant 16 : i32
    %mul3A_54 = arith.muli %add3A, %mul3A_53 : i32
    "tpu.region"() ({
      %run_scoped3A = tpu.sem_alloc : memref<!tpu.dma_semaphore, #tpu.memory_space<semaphore_mem>>
      %dma_start3A = tpu.memref_slice %arg4[%mul3A_54] : memref<512xf32, #tpu.memory_space<hbm>> -> memref<16xf32, #tpu.memory_space<hbm>>
      %dma_start3A_55 = tpu.memref_slice %arg4[%mul3A_54] : memref<512xf32, #tpu.memory_space<hbm>> -> memref<16xf32, #tpu.memory_space<hbm>>
      tpu.enqueue_dma source(%arg7 : memref<16xf32, #tpu.memory_space<vmem>>) target(%dma_start3A_55 : memref<16xf32, #tpu.memory_space<hbm>>) target_semaphore(%run_scoped3A : memref<!tpu.dma_semaphore, #tpu.memory_space<semaphore_mem>>)
      %dma_wait3A_56 = tpu.memref_slice %arg4[%mul3A_54] : memref<512xf32, #tpu.memory_space<hbm>> -> memref<16xf32, #tpu.memory_space<hbm>>
      %dma_wait3A_57 = tpu.memref_slice %arg4[%mul3A_54] : memref<512xf32, #tpu.memory_space<hbm>> -> memref<16xf32, #tpu.memory_space<hbm>>
      tpu.wait_dma2 semaphore(%run_scoped3A : memref<!tpu.dma_semaphore, #tpu.memory_space<semaphore_mem>>) src(%arg7 : memref<16xf32, #tpu.memory_space<vmem>>) dst(%dma_wait3A_57 : memref<16xf32, #tpu.memory_space<hbm>>)
      tpu.yield
    }) : () -> ()
    return
  }
}

module attributes {stable_mosaic.version = 14 : i64} {
  func.func @_tc_finish_body(%arg0: memref<16x32xf32, #tpu.memory_space<vmem>>, %arg1: memref<16x32xi32, #tpu.memory_space<vmem>>, %arg2: memref<16x1xf32, #tpu.memory_space<vmem>>, %arg3: memref<16x1xf32, #tpu.memory_space<vmem>>, %arg4: memref<1x1xf32, #tpu.memory_space<smem>>) attributes {dimension_semantics = [], scalar_prefetch = 0 : i64, scratch_operands = 0 : i64, tpu.core_type = #tpu.core_type<tc>} {
    %get3A = arith.constant 0 : index
    %get3A_0 = arith.constant 0 : index
    %get3A_1 = vector.load %arg0[%get3A, %get3A_0] : memref<16x32xf32, #tpu.memory_space<vmem>>, vector<16x32xf32>
    %get3A_2 = arith.constant 0 : index
    %get3A_3 = arith.constant 0 : index
    %get3A_4 = vector.load %arg1[%get3A_2, %get3A_3] : memref<16x32xi32, #tpu.memory_space<vmem>>, vector<16x32xi32>
    %gt3A = arith.constant 0 : i32
    %gt3A_5 = vector.broadcast %gt3A : i32 to vector<16x32xi32>
    %gt3A_6 = arith.cmpi sgt, %get3A_4, %gt3A_5 : vector<16x32xi32>
    %convert_element_type3A = arith.extui %gt3A_6 : vector<16x32xi1> to vector<16x32xi32>
    %reduce_sum3A = arith.constant dense<0> : vector<16xi32>
    %reduce_sum3A_7 = vector.multi_reduction <add>, %convert_element_type3A, %reduce_sum3A [1] : vector<16x32xi32> to vector<16xi32>
    %broadcast_in_dim3A = vector.shape_cast %reduce_sum3A_7 : vector<16xi32> to vector<16x1xi32>
    %add3A = arith.constant 1 : i32
    %add3A_8 = vector.broadcast %add3A : i32 to vector<16x1xi32>
    %add3A_9 = arith.addi %broadcast_in_dim3A, %add3A_8 : vector<16x1xi32>
    %iota3A = tpu.iota {dimensions = array<i32: 1>} : vector<16x32xi32>
    %lt3A = vector.broadcast %add3A_9 : vector<16x1xi32> to vector<16x32xi32>
    %lt3A_10 = arith.cmpi slt, %iota3A, %lt3A : vector<16x32xi32>
    %convert_element_type3A_11 = arith.extui %lt3A_10 : vector<16x32xi1> to vector<16x32xi32>
    %convert_element_type3A_12 = arith.sitofp %convert_element_type3A_11 : vector<16x32xi32> to vector<16x32xf32>
    %get3A_13 = arith.constant 0 : index
    %get3A_14 = arith.constant 0 : index
    %get3A_15 = vector.load %arg2[%get3A_13, %get3A_14] : memref<16x1xf32, #tpu.memory_space<vmem>>, vector<16x1xf32>
    %get3A_16 = arith.constant 0 : index
    %get3A_17 = arith.constant 0 : index
    %get3A_18 = vector.load %arg3[%get3A_16, %get3A_17] : memref<16x1xf32, #tpu.memory_space<vmem>>, vector<16x1xf32>
    %sub3A = arith.subf %get3A_15, %get3A_18 : vector<16x1xf32>
    %add3A_19 = arith.constant 1.000000e-10 : f32
    %add3A_20 = vector.broadcast %add3A_19 : f32 to vector<16x32xf32>
    %add3A_21 = arith.addf %get3A_1, %add3A_20 : vector<16x32xf32>
    %log3A = math.log %add3A_21 : vector<16x32xf32>
    %neg3A = arith.constant 0.000000e+00 : f32
    %neg3A_22 = vector.broadcast %neg3A : f32 to vector<16x32xf32>
    %neg3A_23 = arith.subf %neg3A_22, %log3A : vector<16x32xf32>
    %mul3A = vector.broadcast %sub3A : vector<16x1xf32> to vector<16x32xf32>
    %mul3A_24 = arith.mulf %neg3A_23, %mul3A : vector<16x32xf32>
    %mul3A_25 = arith.mulf %mul3A_24, %convert_element_type3A_12 : vector<16x32xf32>
    %reduce_sum3A_26 = vector.shape_cast %mul3A_25 : vector<16x32xf32> to vector<1x16x32xf32>
    %reduce_sum3A_27 = arith.constant dense<0.000000e+00> : vector<1xf32>
    %reduce_sum3A_28 = vector.multi_reduction <add>, %reduce_sum3A_26, %reduce_sum3A_27 [1, 2] : vector<1x16x32xf32> to vector<1xf32>
    %reduce_sum3A_29 = vector.shape_cast %reduce_sum3A_28 : vector<1xf32> to vector<1x1x1xf32>
    %reduce_sum3A_30 = vector.extract %reduce_sum3A_29[0, 0, 0] : f32 from vector<1x1x1xf32>
    %reduce_sum3A_31 = vector.shape_cast %convert_element_type3A_12 : vector<16x32xf32> to vector<1x16x32xf32>
    %reduce_sum3A_32 = arith.constant dense<0.000000e+00> : vector<1xf32>
    %reduce_sum3A_33 = vector.multi_reduction <add>, %reduce_sum3A_31, %reduce_sum3A_32 [1, 2] : vector<1x16x32xf32> to vector<1xf32>
    %reduce_sum3A_34 = vector.shape_cast %reduce_sum3A_33 : vector<1xf32> to vector<1x1x1xf32>
    %reduce_sum3A_35 = vector.extract %reduce_sum3A_34[0, 0, 0] : f32 from vector<1x1x1xf32>
    %div3A = arith.divf %reduce_sum3A_30, %reduce_sum3A_35 : f32
    %swap3A = arith.constant 0 : index
    %swap3A_36 = arith.constant 0 : index
    %swap3A_37 = memref.load %arg4[%swap3A, %swap3A_36] : memref<1x1xf32, #tpu.memory_space<smem>>
    memref.store %div3A, %arg4[%swap3A, %swap3A_36] : memref<1x1xf32, #tpu.memory_space<smem>>
    return
  }
}

</mosaic_0001>

<sc_bundles>
// kernel: kernel.4.cloned.1.call-start
scs
__scs_entry_jumppad:
0x0: {  	(pc) =	sbr.rel $0x88, $3  }
0x1: {  	(tag) =	ssettag $0x0;
	lr =	simm.s32 $0x1  }
0x2: {  	[smem:$0x3F9D] =	sst lr;
	_ =	strace $0xD0000000  }
0x3: {  	_ = 	snop  }
0x4: {  	_ = 	snop  }
0x5: {  	_ = 	snop  }
0x6: {  	_ = 	snop  }
0x7: {  	_ = 	snop  }
__scs_overlays_trampoline_lowered:
0x8: {  	[smem:$0x3FAC] =	sst s0  }
0x9: {  	[smem:$0x3FAD] =	sst s1  }
0xa: {  	[smem:$0x3FAE] =	sst s2  }
0xb: {  	[smem:$0x3FAF] =	sst s3  }
0xc: {  	[smem:$0x3FB0] =	sst s4  }
0xd: {  	[smem:$0x3FB1] =	sst s5  }
0xe: {  	[smem:$0x3FB2] =	sst s6  }
0xf: {  	[smem:$0x3FB3] =	sst s7  }
0x10: {  	[smem:$0x3FB4] =	sst s8  }
0x11: {  	[smem:$0x3FB5] =	sst s9;
	s0 =	simm.s32 @!p0 $0x0  }
0x12: {  	s1 =	sld [smem:$0x3F9B];
	s0 =	simm.s32 @p0 $0x1  }
0x13: {  	[smem:$0x3FB6] =	sst s0;
	s0 =	simm.s32 @!p1 $0x0  }
0x14: {  	s2 =	sld [smem:$0x3F9A];
	s0 =	simm.s32 @p1 $0x1  }
0x15: {  	[smem:$0x3FB7] =	sst s0;
	s0 =	simm.s32 @!p2 $0x0  }
0x16: {  	s3 =	sld [smem:$0x3FDB];
	s0 =	simm.s32 @p2 $0x1  }
0x17: {  	s4 =	simm.s32 $0x1BF5;
	[smem:$0x3FB9] =	sst s0  }
0x18: {  	s0 =	sld [smem:$0x3F9C];
	_ =	swait.ge [sflag:s4], $0x0  }
0x19: {  	s7 =	sld [smem:$0x3F9D]  }
0x1a: {  	s8 =	sadd.s32 $0xFFFFE003, lr  }
0x1b: {  	s9 =	sadd.s32 $0xFFFFFEF7, lr;
	s5 =	simm.s32 $0xFFFFFFFF;
	p2 =	slt.u32 s8, $0xFFFFF086  }
0x1c: {  	p1 =	slt.u32 s9, $0xF7A;
	s5 =	simm.s32 @!p2 $0x0  }
0x1d: {  	s5 =	simm.s32 @p1 $0x1;
	p0 =	seq.s32 s7, s2  }
0x1e: {  	s7 =	smul.u32 @!p0 $0xF7A, s2;
	p2 =	seq.s32 @!p0 s5, $0x0  }
0x1f: {  	s9 =	smul.u32 $0xF7A, s1;
	s8 =	simm.s32 @!p0 $0x1BF5;
	p2 =	por !p2, p0  }
0x20: {  	[sflag:s8] =	ssyncset.s32 @!p0 $0xFFFFF086;
	s6 =	sadd.s32 @!p0 s3, s7;
	s7 =	simm.s32 @!p0 $0x108  }
0x21: {  	s3 =	sadd.s32 s3, s9;
	s6 =	sadd.s32 @!p0 $0x88, s6;
	s7 =	simm.s32 @p2 $0x1082  }
0x22: {  	[simem:s7], [sflag:s8] =	dma.local @!p0 [hbm:s6], $0xF7A  }
0x23: {  	s9 =	sor.u32 $0xD0000000, s2;
	s6 =	simm.s32 $0x108;
	_ =	swait.ge @!p0 [sflag:s8], $0x0  }
0x24: {  	s3 =	sadd.s32 $0x88, s3;
	s6 =	simm.s32 @!p1 $0x1082;
	[sflag:s4] =	ssyncset.s32 $0xFFFFF086  }
0x25: {  	[simem:s6], [sflag:s4] =	dma.local [hbm:s3], $0xF7A  }
0x26: {  	[smem:$0x3F9D] =	sst s1;
	(tag) =	ssettag s2;
	_ =	strace s9  }
0x27: {  	s1 =	sld [smem:$0x3FAD]  }
0x28: {  	s2 =	sld [smem:$0x3FAE]  }
0x29: {  	s4 =	sld [smem:$0x3FB0]  }
0x2a: {  	p0 =	seq.s32 s5, $0x0;
	s5 =	sld [smem:$0x3FB1]  }
0x2b: {  	s6 =	sld [smem:$0x3FB2]  }
0x2c: {  	s7 =	sld [smem:$0x3FB3]  }
0x2d: {  	s3 =	simm.s32 $0x108;
	s8 =	sld [smem:$0x3FB4]  }
0x2e: {  	s3 =	simm.s32 @!p0 $0x1082;
	s9 =	sld [smem:$0x3FB5]  }
0x2f: {  	lr =	sadd.s32 s0, s3;
	s0 =	sld [smem:$0x3FAC]  }
0x30: {  	s3 =	sld [smem:$0x3FAF]  }
0x31: {  	[smem:$0x3FB8] =	sst s10  }
0x32: {  	s10 =	sld [smem:$0x3FB6];
	_ =	sdelay $0x3  }
0x33: {  	p0 =	seq.s32 s10, $0x1;
	s10 =	sld [smem:$0x3FB8];
	_ =	sdelay $0x3  }
0x34: {  	[smem:$0x3FB8] =	sst s10  }
0x35: {  	s10 =	sld [smem:$0x3FB7];
	_ =	sdelay $0x3  }
0x36: {  	p1 =	seq.s32 s10, $0x1;
	s10 =	sld [smem:$0x3FB8];
	_ =	sdelay $0x3  }
0x37: {  	[smem:$0x3FB8] =	sst s10  }
0x38: {  	s10 =	sld [smem:$0x3FB9]  }
0x39: {  	_ = 	snop;
	(pc) =	sbr.ind lr, $3  }
0x3a: {  	_ = 	snop  }
0x3b: {  	_ = 	snop  }
0x3c: {  	p2 =	seq.s32 s10, $0x1;
	s10 =	sld [smem:$0x3FB8]  }
0x3d: {  	_ =	shalt  }
0x3e: {  	_ =	shalt  }
0x3f: {  	_ =	shalt  }
0x40: {  	_ =	shalt  }
0x41: {  	_ =	shalt  }
0x42: {  	_ =	shalt  }
0x43: {  	_ =	shalt  }
0x44: {  	_ =	shalt  }
0x45: {  	_ =	shalt  }
0x46: {  	_ =	shalt  }
0x47: {  	_ =	shalt  }
0x48: {  	_ =	shalt  }
0x49: {  	_ =	shalt  }
0x4a: {  	_ =	shalt  }
0x4b: {  	_ =	shalt  }
0x4c: {  	_ =	shalt  }
0x4d: {  	_ =	shalt  }
0x4e: {  	_ =	shalt  }
0x4f: {  	_ =	shalt  }
0x50: {  	_ =	shalt  }
0x51: {  	_ =	shalt  }
0x52: {  	_ =	shalt  }
0x53: {  	_ =	shalt  }
0x54: {  	_ =	shalt  }
0x55: {  	_ =	shalt  }
0x56: {  	_ =	shalt  }
0x57: {  	_ =	shalt  }
0x58: {  	_ =	shalt  }
0x59: {  	_ =	shalt  }
0x5a: {  	_ =	shalt  }
0x5b: {  	_ =	shalt  }
0x5c: {  	_ =	shalt  }
0x5d: {  	_ =	shalt  }
0x5e: {  	_ =	shalt  }
0x5f: {  	_ =	shalt  }
0x60: {  	_ =	shalt  }
0x61: {  	_ =	shalt  }
0x62: {  	_ =	shalt  }
0x63: {  	_ =	shalt  }
0x64: {  	_ =	shalt  }
0x65: {  	_ =	shalt  }
0x66: {  	_ =	shalt  }
0x67: {  	_ =	shalt  }
0x68: {  	_ =	shalt  }
0x69: {  	_ =	shalt  }
0x6a: {  	_ =	shalt  }
0x6b: {  	_ =	shalt  }
0x6c: {  	_ =	shalt  }
0x6d: {  	_ =	shalt  }
0x6e: {  	_ =	shalt  }
0x6f: {  	_ =	shalt  }
0x70: {  	_ =	shalt  }
0x71: {  	_ =	shalt  }
0x72: {  	_ =	shalt  }
0x73: {  	_ =	shalt  }
0x74: {  	_ =	shalt  }
0x75: {  	_ =	shalt  }
0x76: {  	_ =	shalt  }
0x77: {  	_ =	shalt  }
0x78: {  	_ =	shalt  }
0x79: {  	_ =	shalt  }
0x7a: {  	_ =	shalt  }
0x7b: {  	_ =	shalt  }
0x7c: {  	_ =	shalt  }
0x7d: {  	_ =	shalt  }
0x7e: {  	_ =	shalt  }
0x7f: {  	_ =	shalt  }
0x80: {  	_ =	shalt  }
0x81: {  	_ =	shalt  }
0x82: {  	_ =	shalt  }
0x83: {  	_ =	shalt  }
0x84: {  	_ =	shalt  }
0x85: {  	_ =	shalt  }
0x86: {  	_ =	shalt  }
0x87: {  	_ =	shalt  }
.Lfunc_end0:
.L_simem_size_0:
called_computation_lowered:
.L_overlay_start_0:
0x88: {  	s2 =	sld [smem:$0x3FD9]  }
0x89: {  	s3 =	sld [smem:$0x3FFE];
	_ =	sdelay $0x1  }
0x8a: {  	s1 =	srdreg.scid  }
0x8b: {  	s0 =	sand.u32 $0x1, s1  }
0x8c: {  	s17 =	sshll.u32 s0, $0xA;
	s2 =	sadd.s32 s3, s2  }
0x8d: {  	s2 =	sadd.s32 s2, s17  }
0x8e: {  	[smem:$0x3FC4] =	sst s2  }
0x8f: {  	_ = 	snop  }
0x90: {  	s2 =	sld [smem:$0x3FC7]  }
0x91: {  	s18 =	sld [smem:$0x3FC6];
	(tm) =	ssettm $0x1  }
0x92: {  	s4 =	sld [smem:$0x3FFB];
	_ =	sdelay $0x3  }
0x93: {  	_ =	strace s4  }
0x94: {  	s4 =	sld [smem:$0x3FFC];
	_ =	sdelay $0x3  }
0x95: {  	_ =	strace s4  }
0x96: {  	s4 =	sld [smem:$0x3FFD];
	_ =	sdelay $0x3  }
0x97: {  	_ =	strace s4  }
0x98: {  	_ =	strace $0x8FFFFFFF  }
0x99: {  	s19 =	sld [smem:$0x3FDB];
	_ =	sdelay $0x1  }
0x9a: {  	s5 =	simm.s32 $_scs_section_size  }
0x9b: {  	s6 =	simm.s32 $_size__tile_overlayer_lowered;
	s7 =	simm.s32 $_tile_overlayer_lowered  }
0x9c: {  	s22 =	simm.s32 $0x1BFF;
	s21 =	sshll.u32 s7, $0x1;
	s4 =	sadd.s32 s5, s19  }
0x9d: {  	s8 =	simm.s32 $0x0;
	s20 =	sshll.u32 s6, $0x1;
	s6 =	sadd.s32 s21, s4  }
0x9e: {  	[timem:s8], [sflag:s22] =	dma.local [hbm:s6], s20  }
0x9f: {  	_ =	swait.ge [sflag:s22], s20  }
0xa0: {  	s5 =	ssub.s32 $0x0, s20;
	[sflag:s22] =	ssyncset.done $0x0  }
0xa1: {  	[sflag:s22] =	ssyncadd.s32 s5;
	_ =	sdelay $0x1  }
0xa2: {  	s23 =	simm.s32 $0x1B8B  }
0xa3: {  	_ =	swait.ge [sflag:s23], $0x1  }
0xa4: {  	[sflag:s23] =	ssyncset.done $0x0  }
0xa5: {  	s25 =	simm.s32 $0x1B8E;
	s24 =	sld [smem:$0x3FFE];
	[sflag:s23] =	ssyncadd.s32 $0xFFFFFFFF  }
0xa6: {  	s26 =	simm.s32 $execute0_lowered;
	[smem:$0x3FD2] =	sst s25  }
0xa7: {  	s6 =	sshll.u32 s26, $0x1;
	_ =	strace $0x80000046;
	[dreg:$0x1] =	wrdreg $0xFFFFFFFF  }
0xa8: {  	s28 =	simm.s32 $_size_execute0_lowered;
	s4 =	sadd.s32 s4, s6;
	[dreg:$0x0] =	wrdreg $0x0  }
0xa9: {  	s6 =	sshll.u32 s28, $0x1;
	[dreg:$0x2] =	wrdreg s4  }
0xaa: {  	[dreg:$0x3] =	wrdreg s6  }
0xab: {  	[dreg:$0x4] =	wrdreg $0xC0  }
0xac: {  	_ =	task [dreg:s8], $0x5FFFF  }
0xad: {  	[dreg:$0x1] =	wrdreg $0xFFFFFFFF  }
0xae: {  	[dreg:$0x0] =	wrdreg $0x60  }
0xaf: {  	[dreg:$0x2] =	wrdreg s18  }
0xb0: {  	[dreg:$0x3] =	wrdreg s2  }
0xb1: {  	[dreg:$0x4] =	wrdreg s24  }
0xb2: {  	[dreg:$0x5] =	wrdreg $0x9  }
0xb3: {  	_ =	task.clear_ibuf [dreg:s8], $0x6FFFF;
	_ =	strace $0x90000046  }
0xb4: {  	s29 =	simm.s32 $0x9;
	_ =	strace $0x80000048  }
0xb5: {  	_ =	swait.ge [sflag:s29], $0x1  }
0xb6: {  	[sflag:s29] =	ssyncadd.s32 $0xFFFFFFFF  }
0xb7: {  	_ =	strace $0x90000048  }
0xb8: {  	_ =	sfence  }
0xb9: {  	s30 =	sld [smem:$0x0];
	_ =	sdelay $0x2  }
0xba: {  	s31 =	sshll.u32 s1, $0xD;
	s1 =	sshrl.u32 s1, $0x2  }
0xbb: {  	s3 =	sand.u32 $0x4000, s31;
	s1 =	sadd.s32 s1, s30  }
0xbc: {  	s0 =	sor.u32 s3, s0;
	s1 =	sshll.u32 s1, $0x11  }
0xbd: {  	s0 =	sor.u32 s1, s0  }
0xbe: {  	s0 =	sadd.s32 $0x8F2B, s0  }
0xbf: {  	[sflag:s0] =	ssyncadd.remote.s32 $0x1  }
0xc0: {  	_ =	sfence.sel $0xFFFF  }
0xc1: {  	[dreg:$0x0] =	wrdreg $0xFFFFFFFF;
	(pc) =	sbr.abs _section_cstart, $3  }
0xc2: {  	[dreg:$0x1] =	wrdreg $0xFFFFFFFF  }
0xc3: {  	_ =	task.clear_ibuf [dreg:s8], $0x2FFFF;
	_ =	strace $0x9FFFFFFF  }
0xc4: {  	(tm) =	ssettm $0x7FFFFFFF  }
0xc5: {  	_ =	shalt  }
tec
execute0_lowered:
.L_overlay_start_1:
0x0: {  	(tag) =	ssettag $0x1  }
0x1: {  	v0 =	vimm.s32 $0x3F80;
	vm0 =	vcmask $0x300  }
0x2: {  	vm14 =	vcmask $0x704;
	v0 =	vsel vm0, $0x0, v0  }
0x3: {  	vm15 =	vcmask $0xB08;
	v0 =	vsel vm14, $0x480, v0  }
0x4: {  	s2 =	srdreg.scid;
	vm4 =	vcmask $0xF0C;
	s1 =	rddreg [dreg:$0x0];
	v0 =	vsel vm15, $0x900, v0  }
0x5: {  	s0 =	stileid.u32;
	vm5 =	vcmask $0x1310;
	s7 =	rddreg [dreg:$0x2];
	v0 =	vsel vm4, $0xD80, v0  }
0x6: {  	vm6 =	vcmask $0x1714;
	s4 =	simm.s32 $0x0;
	s8 =	simm.s32 $0x1;
	s12 =	simm.s32 $0x800;
	v0 =	vsel vm5, $0x1200, v0  }
0x7: {  	vm7 =	vcmask $0x1B18;
	s13 =	simm.s32 $0x4800;
	s6 =	sand.u32 $0x1, s2;
	s3 =	sshll.u32 s0, $0x1;
	v0 =	vsel vm6, $0x1680, v0  }
0x8: {  	vm8 =	vcmask $0x1F1C;
	s14 =	simm.s32 $0x3;
	s2 =	rddreg [dreg:$0x1];
	s5 =	sor.u32 s6, s3;
	v0 =	vsel vm7, $0x1B00, v0  }
0x9: {  	vm9 =	vcmask $0x2320;
	[smem:$0x7FF] =	sst s4;
	p1 =	seq.s32 s6, $0x1;
	p0 =	seq.s32 s5, $0x0;
	v0 =	vsel vm8, $0x1F80, v0  }
0xa: {  	vm10 =	vcmask $0x2724;
	s15 =	simm.s32 $0x0;
	s3 =	rddreg [dreg:$0x3];
	p0 =	por !p0, !p1;
	v0 =	vsel vm9, $0x2000, v0  }
0xb: {  	vm11 =	vcmask $0x2B28;
	_ =	strace $0x80000047;
	s9 =	ssub.s32 $0x2, s6;
	p0 =	por !p0, !p0;
	v0 =	vsel vm10, $0x2480, v0  }
0xc: {  	vm12 =	vcmask $0x2F2C;
	s6 =	sshll.u32 s6, $0x4;
	s5 =	sshll.u32 s5, $0x1;
	s8 =	simm.s32 @!p0 $0x0;
	v0 =	vsel vm11, $0x2900, v0  }
0xd: {  	vm13 =	vcmask $0x3330;
	s10 =	sshrl.u32 s9, $0x1;
	s11 =	sadd.s32 s5, s7;
	s8 =	ssub.s32 s0, s8;
	v0 =	vsel vm12, $0x2D80, v0  }
0xe: {  	vm14 =	vcmask $0x3734;
	s10 =	ssub.s32 s9, s10;
	s5 =	simm.s32 $0x1;
	s31 =	sshll.u32 s8, $0x9;
	v0 =	vsel vm13, $0x3200, v0  }
0xf: {  	vm15 =	vcmask $0x3B38;
	s9 =	sadd.s32 $0xA00, s11;
	s10 =	smax.u32 s10, $0x1;
	s7 =	sshra.s32 s31, $0x2;
	v1 =	vsel vm14, $0x3680, v0  }
0x10: {  	s11 =	simm.s32 $0x2;
	s8 =	smul.u32 $0x30E000, s8;
	s7 =	sor.u32 s6, s7;
	v0 =	vlaneseq.u32;
	v1 =	vsel vm15, $0x3B00, v1  }
.LBB2_1:
0x11: {  	[tilespmem:s4], [sflag:$0x2] =	stream.linear.gather [hbm4b:s1+s4], $0x800, $0x38;
	[tilespmem:$0x4880] =	vst v63  }
0x12: {  	_ =	swait.ge [sflag:s11], $0x800  }
0x13: {  	[sflag:s11] =	ssyncset.done $0x0  }
0x14: {  	[sflag:s11] =	ssyncadd.s32 $0xFFFFF800  }
0x15: {  	v2 =	vld [tilespmem:s7+$0x0];
	_ =	sdelay $0x2  }
0x16: {  	v3 =	vmov s4  }
0x17: {  	vm0 =	veq.s32 v3, v0  }
0x18: {  	v3 =	vnsel vm0, $0x0, v2  }
0x19: {  	(xrf0) =	vadd.scan.msk.s32 $0xffff, v3  }
0x1a: {  	s16 =	simm.s32 $0x1  }
0x1b: {  	v3 =	vmov s16  }
0x1c: {  	vm12 =	veq.s32 v3, v0  }
0x1d: {  	v3 =	vnsel vm12, $0x0, v2  }
0x1e: {  	(xrf0) =	vadd.scan.msk.s32 $0xffff, v3  }
0x1f: {  	v4, _, _ =	vpop (xrf0)  }
0x20: {  	(v2sf) =	vpush v4, $0xF;
	_ =	sdelay $0x3  }
0x21: {  	v3, _, _ =	vpop (xrf0)  }
0x22: {  	(v2sf) =	vpush v3, $0xF  }
0x23: {  	s19 =	simm.s32 $0x2  }
0x24: {  	v3 =	vmov s19  }
0x25: {  	vm13 =	veq.s32 v3, v0  }
0x26: {  	s16 =	simm.s32 $0x3;
	v4 =	vnsel vm13, $0x0, v2  }
0x27: {  	v3 =	vmov s16;
	(xrf0) =	vadd.scan.msk.s32 $0xffff, v4  }
0x28: {  	vm14 =	veq.s32 v3, v0  }
0x29: {  	v3 =	vnsel vm14, $0x0, v2  }
0x2a: {  	s17 =	sadd.s32 $0x0, s6;
	(xrf0) =	vadd.scan.msk.s32 $0xffff, v3  }
0x2b: {  	s17 =	sshrl.u32 s17, $0x3  }
0x2c: {  	s17 =	smul.u32 $0xC3800, s17;
	s18 =	spop (v2sf)  }
0x2d: {  	v4, _, _ =	vpop (xrf0);
	s18 =	sshll.u32 s18, $0x3  }
0x2e: {  	s17 =	sadd.s32 s8, s17;
	(v2sf) =	vpush v4, $0xF;
	s18 =	sand.u32 $0x7FFFFC00, s18  }
0x2f: {  	s17 =	sadd.s32 s18, s17  }
0x30: {  	v4, _, _ =	vpop (xrf0);
	s20 =	sshrl.u32 s17, $0x3;
	s17 =	simm.s32 $0x4  }
0x31: {  	s31 =	spop (v2sf);
	(v2sf) =	vpush v4, $0xF;
	v3 =	vmov s17  }
0x32: {  	vm15 =	veq.s32 v3, v0  }
0x33: {  	s29 =	sadd.s32 $0x1, s6;
	v3 =	vnsel vm15, $0x0, v2  }
0x34: {  	s18 =	sshrl.u32 s29, $0x3;
	(xrf0) =	vadd.scan.msk.s32 $0xffff, v3  }
0x35: {  	s30 =	smul.u32 $0xC3800, s18;
	s21 =	sshll.u32 s31, $0x3;
	s20 =	sadd.s32 s2, s20  }
0x36: {  	[tilespmem:s12], [sflag:$0x1] =	stream.linear.gather [hbm4b:s20+s4], $0x400, $0x38;
	[tilespmem:$0x4880] =	vst v63  }
0x37: {  	s18 =	simm.s32 $0x5;
	s22 =	sand.u32 $0x7FFFFC00, s21;
	s20 =	sadd.s32 s8, s30  }
0x38: {  	s21 =	simm.s32 $0x6;
	s22 =	sadd.s32 s22, s20;
	s20 =	simm.s32 $0x800;
	v3 =	vmov s18  }
.LBB2_2:
0x39: {  	p0 =	sne.s32 s21, $0xF;
	vm0 =	veq.s32 v3, v0;
	s19 =	sadd.s32 s19, s6;
	s22 =	sshrl.u32 s22, $0x3  }
0x3a: {  	s20 =	sadd.s32 $0x400, s20;
	v3 =	vnsel vm0, $0x0, v2;
	v4, _, _ =	vpop (xrf0);
	s19 =	sshrl.u32 s19, $0x3;
	s22 =	sadd.s32 s2, s22  }
0x3b: {  	[tilespmem:s20], [sflag:$0x1] =	stream.linear.gather [hbm4b:s22+s4], $0x400, $0x38;
	[tilespmem:$0x4880] =	vst v63  }
.Ltmp0:
0x3c: {  	(xrf0) =	vadd.scan.msk.s32 $0xffff, v3;
	(v2sf) =	vpush v4, $0xF;
	(pc) =	sbr.rel @p0 .LBB2_2-.Ltmp0, $4  }
0x3d: {  	s22 =	smul.u32 $0xC3800, s19;
	s19 =	smov.u32 s16;
	s23 =	spop (v2sf)  }
0x3e: {  	s16 =	smov.u32 s17;
	s17 =	smov.u32 s18;
	s23 =	sshll.u32 s23, $0x3  }
0x3f: {  	s18 =	smov.u32 s21;
	s22 =	sadd.s32 s8, s22;
	s23 =	sand.u32 $0x7FFFFC00, s23  }
0x40: {  	s21 =	sadd.s32 $0x1, s21;
	v3 =	vmov s18;
	s22 =	sadd.s32 s23, s22  }
0x41: {  	vm0 =	veq.s32 v3, v0  }
0x42: {  	s19 =	sadd.s32 s19, s6;
	s21 =	sshrl.u32 s22, $0x3;
	v3 =	vnsel vm0, $0x0, v2  }
0x43: {  	s20 =	sadd.s32 $0x400, s20;
	v4, _, _ =	vpop (xrf0);
	s19 =	sshrl.u32 s19, $0x3;
	s21 =	sadd.s32 s2, s21;
	(xrf0) =	vadd.scan.msk.s32 $0xffff, v3  }
0x44: {  	(v2sf) =	vpush v4, $0xF;
	[tilespmem:s20], [sflag:$0x1] =	stream.linear.gather [hbm4b:s21+s4], $0x400, $0x38;
	[tilespmem:$0x4880] =	vst v63  }
0x45: {  	s31 =	spop (v2sf);
	s19 =	smul.u32 $0xC3800, s19  }
0x46: {  	s21 =	sshll.u32 s31, $0x3  }
0x47: {  	s21 =	sand.u32 $0x7FFFFC00, s21;
	s19 =	sadd.s32 s8, s19  }
0x48: {  	s19 =	sadd.s32 s21, s19  }
0x49: {  	s16 =	sadd.s32 s16, s6;
	s19 =	sshrl.u32 s19, $0x3  }
0x4a: {  	s16 =	sshrl.u32 s16, $0x3;
	s20 =	sadd.s32 $0x400, s20;
	s19 =	sadd.s32 s2, s19;
	v3, _, _ =	vpop (xrf0)  }
0x4b: {  	[tilespmem:s20], [sflag:$0x1] =	stream.linear.gather [hbm4b:s19+s4], $0x400, $0x38;
	(v2sf) =	vpush v3, $0xF;
	[tilespmem:$0x4880] =	vst v63  }
0x4c: {  	s16 =	smul.u32 $0xC3800, s16;
	s22 =	spop (v2sf)  }
0x4d: {  	s19 =	sshll.u32 s22, $0x3  }
0x4e: {  	s16 =	sadd.s32 s8, s16;
	s19 =	sand.u32 $0x7FFFFC00, s19  }
0x4f: {  	s16 =	sadd.s32 s19, s16  }
0x50: {  	s17 =	sadd.s32 s17, s6;
	s16 =	sshrl.u32 s16, $0x3  }
0x51: {  	s17 =	sshrl.u32 s17, $0x3;
	s23 =	sadd.s32 $0x400, s20;
	s16 =	sadd.s32 s2, s16  }
0x52: {  	[tilespmem:s23], [sflag:$0x1] =	stream.linear.gather [hbm4b:s16+s4], $0x400, $0x38;
	[tilespmem:$0x4880] =	vst v63  }
0x53: {  	s24 =	smul.u32 $0xC3800, s17;
	s25 =	spop (v2sf)  }
0x54: {  	s17 =	sshll.u32 s25, $0x3  }
0x55: {  	s16 =	sadd.s32 s8, s24;
	s17 =	sand.u32 $0x7FFFFC00, s17  }
0x56: {  	s16 =	sadd.s32 s17, s16  }
0x57: {  	s26 =	sadd.s32 s18, s6;
	s16 =	sshrl.u32 s16, $0x3  }
0x58: {  	s28 =	sadd.s32 $0x400, s23;
	s17 =	sshrl.u32 s26, $0x3;
	s16 =	sadd.s32 s2, s16  }
0x59: {  	[tilespmem:s28], [sflag:$0x1] =	stream.linear.gather [hbm4b:s16+s4], $0x400, $0x38;
	[tilespmem:$0x4880] =	vst v63  }
0x5a: {  	s29 =	smul.u32 $0xC3800, s17;
	s30 =	spop (v2sf)  }
0x5b: {  	s17 =	sshll.u32 s30, $0x3  }
0x5c: {  	s16 =	sadd.s32 s8, s29;
	s17 =	sand.u32 $0x7FFFFC00, s17  }
0x5d: {  	s16 =	sadd.s32 s17, s16  }
0x5e: {  	v2 =	vand.u32 $0x7F, v2;
	s16 =	sshrl.u32 s16, $0x3  }
0x5f: {  	v2 =	vor.u32 v1, v2;
	s31 =	sadd.s32 $0x400, s28;
	s16 =	sadd.s32 s2, s16  }
0x60: {  	[tilespmem:s31], [sflag:$0x1] =	stream.linear.gather [hbm4b:s16+s4], $0x400, $0x38;
	[tilespmem:$0x4880] =	vst v63  }
0x61: {  	_ =	swait.ge [sflag:s5], $0x4000  }
0x62: {  	[sflag:s5] =	ssyncset.done $0x0  }
0x63: {  	[sflag:s5] =	ssyncadd.s32 $0xFFFFC000  }
0x64: {  	v2 =	vld.idx.msk [tilespmem:v2+s12+$0x0], $0xffff;
	_ =	sdelay $0x2  }
0x65: {  	s15 =	sadd.s32 $0x1, s15  }
0x66: {  	p0 =	sne.s32 s15, s10  }
.Ltmp1:
0x67: {  	[tilespmem:$0x4800] =	vst v2;
	(pc) =	sbr.rel @p0 .LBB2_1-.Ltmp1, $4  }
0x68: {  	[hbm4b:s9+s4] =	stream.linear.scatter [tilespmem:s13], [sflag:$0x3], $0x10, $0x38;
	[tilespmem:$0x4880] =	vst v63  }
0x69: {  	_ =	swait.ge [sflag:s14], $0x10  }
0x6a: {  	[sflag:s14] =	ssyncset.done $0x0  }
0x6b: {  	[sflag:s14] =	ssyncadd.s32 $0xFFFFFFF0  }
0x6c: {  	_ =	sfence.sel $0x180000  }
0x6d: {  	[bflag:$0x0] =	sbarrier.arrive $0xFFFF  }
0x6e: {  	p0 =	sne.s32 s0, $0x0;
	_ =	strace $0x90000047  }
0x6f: {  	s0 =	sadd.s32 @!p0 $0x100000, s3;
	[bflag:$0x2] =	sbarrier.arrive $0xFFFF  }
0x70: {  	[sflag:s0] =	ssyncadd.tile.s32 @!p0 $0x1;
	_ =	shalt  }
.Lfunc_end2:
_tile_overlayer_lowered:
.L_overlay_start_2:
0x71: {  	(tag) =	ssettag $0x2  }
0x72: {  	s0 =	rddreg [dreg:$0x0];
	s2 =	stileid.u32  }
0x73: {  	s1 =	rddreg [dreg:$0x1];
	p0 =	sne.s32 s2, $0x0  }
0x74: {  	s3 =	rddreg [dreg:$0x2];
	[bflag:$0x3] =	sbarrier.arrive $0xFFFF;
	s2 =	simm.s32 @!p0 $0x1C03  }
0x75: {  	[timem:s3], [sflag:s2] =	dma.local @!p0 [hbm:s0], s1  }
0x76: {  	s0 =	simm.s32 @!p0 $0x3  }
0x77: {  	_ =	swait.ge @!p0 [sflag:s0], s1  }
0x78: {  	s1 =	ssub.s32 @!p0 $0x0, s1;
	[sflag:s0] =	ssyncset.done @!p0 $0x0  }
0x79: {  	[sflag:s0] =	ssyncadd.s32 @!p0 s1  }
0x7a: {  	[bflag:$0x3] =	sbarrier.arrive $0xFFFF  }
0x7b: {  	_ =	shalt  }

</sc_bundles>
